<compile_context>
chip_gen: v7x
topology: tpu7x:2x2x1
jax: 0.10.2.dev20260603
libtpu: 0.0.44.dev20260713+nightly
codegen_flags: <defaults>
</compile_context>

<pallas_src>
import functools

import jax
import jax.numpy as jnp
from jax import lax
from jax.experimental import pallas as pl
from jax.experimental.pallas import tpu as pltpu
from jax.experimental.pallas import tpu_sc as plsc

BATCH = 16384
CLASSES = 1000
GAMMA = 2.0
BLK = 1024
NB = BATCH // BLK

NWORK = 32
CH = BATCH // NWORK


def _sc_alpha_gather(alpha1d, targets):
    mesh = plsc.VectorSubcoreMesh(core_axis_name="c", subcore_axis_name="s")

    @functools.partial(
        pl.kernel,
        mesh=mesh,
        out_type=jax.ShapeDtypeStruct((BATCH,), jnp.float32),
        scratch_types=[
            pltpu.VMEM((CH,), jnp.int32),
            pltpu.VMEM((CH,), jnp.float32),
            pltpu.SemaphoreType.DMA,
        ],
    )
    def gather_kernel(alpha_hbm, t_hbm, out_hbm, t_v, at_v, sem):
        wid = lax.axis_index("s") * 2 + lax.axis_index("c")
        base = wid * CH
        pltpu.sync_copy(t_hbm.at[pl.ds(base, CH)], t_v)
        copies = [
            pltpu.async_copy(
                alpha_hbm.at[t_v.at[pl.ds(128 * k, 128)]],
                at_v.at[pl.ds(128 * k, 128)],
                sem,
            )
            for k in range(CH // 128)
        ]
        for c in copies:
            c.wait()
        pltpu.sync_copy(at_v, out_hbm.at[pl.ds(base, CH)])

    return gather_kernel(alpha1d, targets)


def _focal_body(x_ref, t_ref, at_ref, out_ref):
    i = pl.program_id(0)
    x = x_ref[...]
    t = t_ref[0, 0, :]
    m = jnp.max(x, axis=0, keepdims=True)
    e = jnp.exp(x - m)
    s = jnp.sum(e, axis=0, keepdims=True)

    row = jax.lax.broadcasted_iota(jnp.int32, (CLASSES, BLK), 0)
    mask = row == t[None, :]
    xt = jnp.sum(jnp.where(mask, x, 0.0), axis=0, keepdims=True)
    at = at_ref[0, :, :]

    log_p = (xt - m) - jnp.log(s)
    p = jnp.exp(log_p)
    omp = 1.0 - p
    loss = -at * (omp * omp) * log_p
    part = jnp.sum(loss)

    @pl.when(i == 0)
    def _():
        out_ref[0, 0] = 0.0

    out_ref[0, 0] += part

    @pl.when(i == NB - 1)
    def _():
        out_ref[0, 0] = out_ref[0, 0] * (1.0 / BATCH)


def kernel(inputs, targets, alpha):
    at1d = _sc_alpha_gather(alpha.reshape(CLASSES), targets)
    xT = inputs.T
    t3 = targets.reshape(NB, 1, BLK)
    at3 = at1d.reshape(NB, 1, BLK)
    out = pl.pallas_call(
        _focal_body,
        grid=(NB,),
        in_specs=[
            pl.BlockSpec((CLASSES, BLK), lambda i: (0, i)),
            pl.BlockSpec((1, 1, BLK), lambda i: (i, 0, 0)),
            pl.BlockSpec((1, 1, BLK), lambda i: (i, 0, 0)),
        ],
        out_specs=pl.BlockSpec(memory_space=pltpu.SMEM),
        out_shape=jax.ShapeDtypeStruct((1, 1), jnp.float32),
    )(xT, t3, at3)
    return out[0, 0]

# --- scband reference (transcript-rebuilt; emitter-appended) ---
"""Pipeline reference for scband-focal-loss-19662360281283 (READ-ONLY COPY).

The authoritative reference and input builder live on the scoring server;
editing this copy changes nothing except your own understanding.
"""

import jax, jax.numpy as jnp
import numpy as np

CLASS_NUM = 1000
BATCH = 16384
GAMMA = 2.0

def setup_inputs(seed: int = 0) -> dict:
    key = jax.random.key(seed)
    k1, k2 = jax.random.split(key)
    inputs = jax.random.normal(k1, (BATCH, CLASS_NUM), dtype=jnp.float32)
    targets = jax.random.randint(k2, (BATCH,), 0, CLASS_NUM, dtype=jnp.int32)
    # learned/param tensor: alpha defaults to ones(class_num, 1) in the torch module
    alpha = jnp.ones((CLASS_NUM, 1), dtype=jnp.float32)
    return {"inputs": inputs, "targets": targets, "alpha": alpha}

def reference(inputs, targets, alpha):
    # P = softmax(inputs, dim=1)
    P = jax.nn.softmax(inputs, axis=1)
    # class_mask via scatter of ones at target indices (one-hot)
    class_mask = jax.nn.one_hot(targets, inputs.shape[1], dtype=inputs.dtype)
    # alpha gather: alpha[ids] -> [N, 1]
    a = jnp.take(alpha, targets, axis=0)
    probs = jnp.sum(P * class_mask, axis=1).reshape(-1, 1)
    log_p = jnp.log(probs)
    batch_loss = -a * jnp.power(1.0 - probs, GAMMA) * log_p
    # size_average=True -> mean over batch
    loss = jnp.mean(batch_loss)
    return loss

if __name__ == "__main__":
    import jax
    _d = setup_inputs()
    print(jax.jit(kernel)(*tuple(_d.values())))

</pallas_src>

<mosaic_0001>
#map = affine_map<(d0, d1) -> (0)>
module attributes {stable_mosaic.version = 14 : i64} {
  func.func @gather_kernel(%arg0: i32, %arg1: i32, %arg2: memref<1000xf32, #tpu.memory_space<hbm>>, %arg3: memref<16384xi32, #tpu.memory_space<hbm>>, %arg4: memref<16384xf32, #tpu.memory_space<hbm>>, %arg5: memref<512xi32, #tpu.memory_space<vmem>>, %arg6: memref<512xf32, #tpu.memory_space<vmem>>, %arg7: memref<!tpu.dma_semaphore, #tpu.memory_space<semaphore_mem>>) attributes {dimension_semantics = [#tpu.dimension_semantics<core_parallel>, #tpu.dimension_semantics<subcore_parallel>], iteration_bounds = array<i64: 2, 16>, scalar_prefetch = 0 : i64, scratch_operands = 3 : i64, tpu.core_type = #tpu.core_type<sc_vector_subcore>, window_params = [{transform_indices = #map}, {transform_indices = #map}, {transform_indices = #map}]} {
    %mul3A = arith.constant 2 : i32
    %mul3A_0 = arith.muli %arg1, %mul3A : i32
    %add3A = arith.addi %mul3A_0, %arg0 : i32
    %mul3A_1 = arith.constant 512 : i32
    %mul3A_2 = arith.muli %add3A, %mul3A_1 : i32
    "tpu.region"() ({
      %run_scoped3A = tpu.sem_alloc : memref<!tpu.dma_semaphore, #tpu.memory_space<semaphore_mem>>
      %dma_start3A_49 = tpu.memref_slice %arg3[%mul3A_2] : memref<16384xi32, #tpu.memory_space<hbm>> -> memref<512xi32, #tpu.memory_space<hbm>>
      %dma_start3A_50 = tpu.memref_slice %arg3[%mul3A_2] : memref<16384xi32, #tpu.memory_space<hbm>> -> memref<512xi32, #tpu.memory_space<hbm>>
      tpu.enqueue_dma source(%dma_start3A_50 : memref<512xi32, #tpu.memory_space<hbm>>) target(%arg5 : memref<512xi32, #tpu.memory_space<vmem>>) target_semaphore(%run_scoped3A : memref<!tpu.dma_semaphore, #tpu.memory_space<semaphore_mem>>)
      %dma_wait3A_51 = tpu.memref_slice %arg3[%mul3A_2] : memref<16384xi32, #tpu.memory_space<hbm>> -> memref<512xi32, #tpu.memory_space<hbm>>
      %dma_wait3A_52 = tpu.memref_slice %arg3[%mul3A_2] : memref<16384xi32, #tpu.memory_space<hbm>> -> memref<512xi32, #tpu.memory_space<hbm>>
      tpu.wait_dma2 semaphore(%run_scoped3A : memref<!tpu.dma_semaphore, #tpu.memory_space<semaphore_mem>>) src(%dma_wait3A_52 : memref<512xi32, #tpu.memory_space<hbm>>) dst(%arg5 : memref<512xi32, #tpu.memory_space<vmem>>)
      tpu.yield
    }) : () -> ()
    %dma_start3A = arith.constant 0 : i32
    %dma_start3A_3 = tpu.memref_slice %arg6[%dma_start3A] : memref<512xf32, #tpu.memory_space<vmem>> -> memref<128xf32, #tpu.memory_space<vmem>>
    %dma_start3A_4 = arith.constant 0 : i32
    %dma_start3A_5 = tpu.memref_slice %arg5[%dma_start3A_4] : memref<512xi32, #tpu.memory_space<vmem>> -> memref<128xi32, #tpu.memory_space<vmem>>
    %dma_start3A_6 = arith.constant 0 : i32
    %dma_start3A_7 = tpu.memref_slice %arg2[%dma_start3A_6] : memref<1000xf32, #tpu.memory_space<hbm>> -> memref<1000xf32, #tpu.memory_space<hbm>>
    tpu.enqueue_indirect_dma source(%dma_start3A_7 : memref<1000xf32, #tpu.memory_space<hbm>>) target(%dma_start3A_3 : memref<128xf32, #tpu.memory_space<vmem>>) offsets(%dma_start3A_5 : memref<128xi32, #tpu.memory_space<vmem>>) semaphore(%arg7 : memref<!tpu.dma_semaphore, #tpu.memory_space<semaphore_mem>>)
    %dma_start3A_8 = arith.constant 128 : i32
    %dma_start3A_9 = tpu.memref_slice %arg6[%dma_start3A_8] : memref<512xf32, #tpu.memory_space<vmem>> -> memref<128xf32, #tpu.memory_space<vmem>>
    %dma_start3A_10 = arith.constant 128 : i32
    %dma_start3A_11 = tpu.memref_slice %arg5[%dma_start3A_10] : memref<512xi32, #tpu.memory_space<vmem>> -> memref<128xi32, #tpu.memory_space<vmem>>
    %dma_start3A_12 = arith.constant 0 : i32
    %dma_start3A_13 = tpu.memref_slice %arg2[%dma_start3A_12] : memref<1000xf32, #tpu.memory_space<hbm>> -> memref<1000xf32, #tpu.memory_space<hbm>>
    tpu.enqueue_indirect_dma source(%dma_start3A_13 : memref<1000xf32, #tpu.memory_space<hbm>>) target(%dma_start3A_9 : memref<128xf32, #tpu.memory_space<vmem>>) offsets(%dma_start3A_11 : memref<128xi32, #tpu.memory_space<vmem>>) semaphore(%arg7 : memref<!tpu.dma_semaphore, #tpu.memory_space<semaphore_mem>>)
    %dma_start3A_14 = arith.constant 256 : i32
    %dma_start3A_15 = tpu.memref_slice %arg6[%dma_start3A_14] : memref<512xf32, #tpu.memory_space<vmem>> -> memref<128xf32, #tpu.memory_space<vmem>>
    %dma_start3A_16 = arith.constant 256 : i32
    %dma_start3A_17 = tpu.memref_slice %arg5[%dma_start3A_16] : memref<512xi32, #tpu.memory_space<vmem>> -> memref<128xi32, #tpu.memory_space<vmem>>
    %dma_start3A_18 = arith.constant 0 : i32
    %dma_start3A_19 = tpu.memref_slice %arg2[%dma_start3A_18] : memref<1000xf32, #tpu.memory_space<hbm>> -> memref<1000xf32, #tpu.memory_space<hbm>>
    tpu.enqueue_indirect_dma source(%dma_start3A_19 : memref<1000xf32, #tpu.memory_space<hbm>>) target(%dma_start3A_15 : memref<128xf32, #tpu.memory_space<vmem>>) offsets(%dma_start3A_17 : memref<128xi32, #tpu.memory_space<vmem>>) semaphore(%arg7 : memref<!tpu.dma_semaphore, #tpu.memory_space<semaphore_mem>>)
    %dma_start3A_20 = arith.constant 384 : i32
    %dma_start3A_21 = tpu.memref_slice %arg6[%dma_start3A_20] : memref<512xf32, #tpu.memory_space<vmem>> -> memref<128xf32, #tpu.memory_space<vmem>>
    %dma_start3A_22 = arith.constant 384 : i32
    %dma_start3A_23 = tpu.memref_slice %arg5[%dma_start3A_22] : memref<512xi32, #tpu.memory_space<vmem>> -> memref<128xi32, #tpu.memory_space<vmem>>
    %dma_start3A_24 = arith.constant 0 : i32
    %dma_start3A_25 = tpu.memref_slice %arg2[%dma_start3A_24] : memref<1000xf32, #tpu.memory_space<hbm>> -> memref<1000xf32, #tpu.memory_space<hbm>>
    tpu.enqueue_indirect_dma source(%dma_start3A_25 : memref<1000xf32, #tpu.memory_space<hbm>>) target(%dma_start3A_21 : memref<128xf32, #tpu.memory_space<vmem>>) offsets(%dma_start3A_23 : memref<128xi32, #tpu.memory_space<vmem>>) semaphore(%arg7 : memref<!tpu.dma_semaphore, #tpu.memory_space<semaphore_mem>>)
    %dma_wait3A = arith.constant 0 : i32
    %dma_wait3A_26 = tpu.memref_slice %arg6[%dma_wait3A] : memref<512xf32, #tpu.memory_space<vmem>> -> memref<128xf32, #tpu.memory_space<vmem>>
    %dma_wait3A_27 = arith.constant 0 : i32
    %dma_wait3A_28 = tpu.memref_slice %arg5[%dma_wait3A_27] : memref<512xi32, #tpu.memory_space<vmem>> -> memref<128xi32, #tpu.memory_space<vmem>>
    %dma_wait3A_29 = arith.constant 0 : i32
    %dma_wait3A_30 = tpu.memref_slice %arg2[%dma_wait3A_29] : memref<1000xf32, #tpu.memory_space<hbm>> -> memref<1000xf32, #tpu.memory_space<hbm>>
    tpu.wait_indirect_dma semaphore(%arg7 : memref<!tpu.dma_semaphore, #tpu.memory_space<semaphore_mem>>) src(%dma_wait3A_30 : memref<1000xf32, #tpu.memory_space<hbm>>) dst(%dma_wait3A_26 : memref<128xf32, #tpu.memory_space<vmem>>)
    %dma_wait3A_31 = arith.constant 128 : i32
    %dma_wait3A_32 = tpu.memref_slice %arg6[%dma_wait3A_31] : memref<512xf32, #tpu.memory_space<vmem>> -> memref<128xf32, #tpu.memory_space<vmem>>
    %dma_wait3A_33 = arith.constant 128 : i32
    %dma_wait3A_34 = tpu.memref_slice %arg5[%dma_wait3A_33] : memref<512xi32, #tpu.memory_space<vmem>> -> memref<128xi32, #tpu.memory_space<vmem>>
    %dma_wait3A_35 = arith.constant 0 : i32
    %dma_wait3A_36 = tpu.memref_slice %arg2[%dma_wait3A_35] : memref<1000xf32, #tpu.memory_space<hbm>> -> memref<1000xf32, #tpu.memory_space<hbm>>
    tpu.wait_indirect_dma semaphore(%arg7 : memref<!tpu.dma_semaphore, #tpu.memory_space<semaphore_mem>>) src(%dma_wait3A_36 : memref<1000xf32, #tpu.memory_space<hbm>>) dst(%dma_wait3A_32 : memref<128xf32, #tpu.memory_space<vmem>>)
    %dma_wait3A_37 = arith.constant 256 : i32
    %dma_wait3A_38 = tpu.memref_slice %arg6[%dma_wait3A_37] : memref<512xf32, #tpu.memory_space<vmem>> -> memref<128xf32, #tpu.memory_space<vmem>>
    %dma_wait3A_39 = arith.constant 256 : i32
    %dma_wait3A_40 = tpu.memref_slice %arg5[%dma_wait3A_39] : memref<512xi32, #tpu.memory_space<vmem>> -> memref<128xi32, #tpu.memory_space<vmem>>
    %dma_wait3A_41 = arith.constant 0 : i32
    %dma_wait3A_42 = tpu.memref_slice %arg2[%dma_wait3A_41] : memref<1000xf32, #tpu.memory_space<hbm>> -> memref<1000xf32, #tpu.memory_space<hbm>>
    tpu.wait_indirect_dma semaphore(%arg7 : memref<!tpu.dma_semaphore, #tpu.memory_space<semaphore_mem>>) src(%dma_wait3A_42 : memref<1000xf32, #tpu.memory_space<hbm>>) dst(%dma_wait3A_38 : memref<128xf32, #tpu.memory_space<vmem>>)
    %dma_wait3A_43 = arith.constant 384 : i32
    %dma_wait3A_44 = tpu.memref_slice %arg6[%dma_wait3A_43] : memref<512xf32, #tpu.memory_space<vmem>> -> memref<128xf32, #tpu.memory_space<vmem>>
    %dma_wait3A_45 = arith.constant 384 : i32
    %dma_wait3A_46 = tpu.memref_slice %arg5[%dma_wait3A_45] : memref<512xi32, #tpu.memory_space<vmem>> -> memref<128xi32, #tpu.memory_space<vmem>>
    %dma_wait3A_47 = arith.constant 0 : i32
    %dma_wait3A_48 = tpu.memref_slice %arg2[%dma_wait3A_47] : memref<1000xf32, #tpu.memory_space<hbm>> -> memref<1000xf32, #tpu.memory_space<hbm>>
    tpu.wait_indirect_dma semaphore(%arg7 : memref<!tpu.dma_semaphore, #tpu.memory_space<semaphore_mem>>) src(%dma_wait3A_48 : memref<1000xf32, #tpu.memory_space<hbm>>) dst(%dma_wait3A_44 : memref<128xf32, #tpu.memory_space<vmem>>)
    "tpu.region"() ({
      %run_scoped3A = tpu.sem_alloc : memref<!tpu.dma_semaphore, #tpu.memory_space<semaphore_mem>>
      %dma_start3A_49 = tpu.memref_slice %arg4[%mul3A_2] : memref<16384xf32, #tpu.memory_space<hbm>> -> memref<512xf32, #tpu.memory_space<hbm>>
      %dma_start3A_50 = tpu.memref_slice %arg4[%mul3A_2] : memref<16384xf32, #tpu.memory_space<hbm>> -> memref<512xf32, #tpu.memory_space<hbm>>
      tpu.enqueue_dma source(%arg6 : memref<512xf32, #tpu.memory_space<vmem>>) target(%dma_start3A_50 : memref<512xf32, #tpu.memory_space<hbm>>) target_semaphore(%run_scoped3A : memref<!tpu.dma_semaphore, #tpu.memory_space<semaphore_mem>>)
      %dma_wait3A_51 = tpu.memref_slice %arg4[%mul3A_2] : memref<16384xf32, #tpu.memory_space<hbm>> -> memref<512xf32, #tpu.memory_space<hbm>>
      %dma_wait3A_52 = tpu.memref_slice %arg4[%mul3A_2] : memref<16384xf32, #tpu.memory_space<hbm>> -> memref<512xf32, #tpu.memory_space<hbm>>
      tpu.wait_dma2 semaphore(%run_scoped3A : memref<!tpu.dma_semaphore, #tpu.memory_space<semaphore_mem>>) src(%arg6 : memref<512xf32, #tpu.memory_space<vmem>>) dst(%dma_wait3A_52 : memref<512xf32, #tpu.memory_space<hbm>>)
      tpu.yield
    }) : () -> ()
    return
  }
}

module attributes {stable_mosaic.version = 14 : i64} {
  func.func @_focal_body(%arg0: i32, %arg1: memref<1000x1024xf32, #tpu.memory_space<vmem>>, %arg2: memref<1x1x1024xi32, #tpu.memory_space<vmem>>, %arg3: memref<1x1x1024xf32, #tpu.memory_space<vmem>>, %arg4: memref<1x1xf32, #tpu.memory_space<smem>>) attributes {dimension_semantics = [#tpu.dimension_semantics<arbitrary>], iteration_bounds = array<i64: 16>, scalar_prefetch = 0 : i64, scratch_operands = 0 : i64, tpu.core_type = #tpu.core_type<tc>, window_params = [{transform_indices = @transform_0, window_bounds = array<i64: 1000, 1024>}, {transform_indices = @transform_1, window_bounds = array<i64: 1, 1, 1024>}, {transform_indices = @transform_2, window_bounds = array<i64: 1, 1, 1024>}, {transform_indices = @transform_3, window_bounds = array<i64: 1, 1>}]} {
    %get3A = arith.constant 0 : index
    %get3A_0 = arith.constant 0 : index
    %get3A_1 = vector.load %arg1[%get3A, %get3A_0] : memref<1000x1024xf32, #tpu.memory_space<vmem>>, vector<1000x1024xf32>
    %get3A_2 = arith.constant 0 : index
    %get3A_3 = arith.constant 0 : index
    %get3A_4 = arith.constant 0 : index
    %get3A_5 = vector.load %arg2[%get3A_2, %get3A_3, %get3A_4] : memref<1x1x1024xi32, #tpu.memory_space<vmem>>, vector<1x1x1024xi32>
    %get3A_6 = vector.shape_cast %get3A_5 : vector<1x1x1024xi32> to vector<1024xi32>
    %reduce_max3A = arith.constant dense<0xFF800000> : vector<1024xf32>
    %reduce_max3A_7 = vector.multi_reduction <maximumf>, %get3A_1, %reduce_max3A [0] : vector<1000x1024xf32> to vector<1024xf32>
    %broadcast_in_dim3A = vector.shape_cast %reduce_max3A_7 : vector<1024xf32> to vector<1x1024xf32>
    %sub3A = vector.broadcast %broadcast_in_dim3A : vector<1x1024xf32> to vector<1000x1024xf32>
    %sub3A_8 = arith.subf %get3A_1, %sub3A : vector<1000x1024xf32>
    %exp3A = math.exp %sub3A_8 : vector<1000x1024xf32>
    %reduce_sum3A = arith.constant dense<0.000000e+00> : vector<1024xf32>
    %reduce_sum3A_9 = vector.multi_reduction <add>, %exp3A, %reduce_sum3A [0] : vector<1000x1024xf32> to vector<1024xf32>
    %broadcast_in_dim3A_10 = vector.shape_cast %reduce_sum3A_9 : vector<1024xf32> to vector<1x1024xf32>
    %iota3A = tpu.iota {dimensions = array<i32: 0>} : vector<1000x1024xi32>
    %broadcast_in_dim3A_11 = vector.shape_cast %get3A_6 : vector<1024xi32> to vector<1x1024xi32>
    %eq3A = vector.broadcast %broadcast_in_dim3A_11 : vector<1x1024xi32> to vector<1000x1024xi32>
    %eq3A_12 = arith.cmpi eq, %iota3A, %eq3A : vector<1000x1024xi32>
    %jit3A = arith.constant 0.000000e+00 : f32
    %broadcast_in_dim3A_13 = vector.broadcast %jit3A : f32 to vector<1000x1024xf32>
    %select_n3A = arith.select %eq3A_12, %get3A_1, %broadcast_in_dim3A_13 : vector<1000x1024xi1>, vector<1000x1024xf32>
    %reduce_sum3A_14 = arith.constant dense<0.000000e+00> : vector<1024xf32>
    %reduce_sum3A_15 = vector.multi_reduction <add>, %select_n3A, %reduce_sum3A_14 [0] : vector<1000x1024xf32> to vector<1024xf32>
    %broadcast_in_dim3A_16 = vector.shape_cast %reduce_sum3A_15 : vector<1024xf32> to vector<1x1024xf32>
    %get3A_17 = arith.constant 0 : index
    %get3A_18 = arith.constant 0 : index
    %get3A_19 = arith.constant 0 : index
    %get3A_20 = vector.load %arg3[%get3A_17, %get3A_18, %get3A_19] : memref<1x1x1024xf32, #tpu.memory_space<vmem>>, vector<1x1x1024xf32>
    %get3A_21 = vector.shape_cast %get3A_20 : vector<1x1x1024xf32> to vector<1x1024xf32>
    %sub3A_22 = arith.subf %broadcast_in_dim3A_16, %broadcast_in_dim3A : vector<1x1024xf32>
    %log3A = math.log %broadcast_in_dim3A_10 : vector<1x1024xf32>
    %sub3A_23 = arith.subf %sub3A_22, %log3A : vector<1x1024xf32>
    %exp3A_24 = math.exp %sub3A_23 : vector<1x1024xf32>
    %sub3A_25 = arith.constant 1.000000e+00 : f32
    %sub3A_26 = vector.broadcast %sub3A_25 : f32 to vector<1x1024xf32>
    %sub3A_27 = arith.subf %sub3A_26, %exp3A_24 : vector<1x1024xf32>
    %neg3A = arith.constant 0.000000e+00 : f32
    %neg3A_28 = vector.broadcast %neg3A : f32 to vector<1x1024xf32>
    %neg3A_29 = arith.subf %neg3A_28, %get3A_21 : vector<1x1024xf32>
    %mul3A = arith.mulf %sub3A_27, %sub3A_27 : vector<1x1024xf32>
    %mul3A_30 = arith.mulf %neg3A_29, %mul3A : vector<1x1024xf32>
    %mul3A_31 = arith.mulf %mul3A_30, %sub3A_23 : vector<1x1024xf32>
    %reduce_sum3A_32 = vector.shape_cast %mul3A_31 : vector<1x1024xf32> to vector<1x1x1024xf32>
    %reduce_sum3A_33 = arith.constant dense<0.000000e+00> : vector<1xf32>
    %reduce_sum3A_34 = vector.multi_reduction <add>, %reduce_sum3A_32, %reduce_sum3A_33 [1, 2] : vector<1x1x1024xf32> to vector<1xf32>
    %reduce_sum3A_35 = vector.shape_cast %reduce_sum3A_34 : vector<1xf32> to vector<1x1x1xf32>
    %reduce_sum3A_36 = vector.extract %reduce_sum3A_35[0, 0, 0] : f32 from vector<1x1x1xf32>
    %eq3A_37 = arith.constant 0 : i32
    %eq3A_38 = arith.cmpi eq, %arg0, %eq3A_37 : i32
    %convert_element_type3A = arith.extui %eq3A_38 : i1 to i32
    %cond3A = arith.constant 0 : i32
    %cond3A_39 = arith.cmpi ne, %convert_element_type3A, %cond3A : i32
    scf.if %cond3A_39 {
      %swap3A_50 = arith.constant 0.000000e+00 : f32
      %swap3A_51 = arith.constant 0 : index
      %swap3A_52 = arith.constant 0 : index
      %swap3A_53 = memref.load %arg4[%swap3A_51, %swap3A_52] : memref<1x1xf32, #tpu.memory_space<smem>>
      memref.store %swap3A_50, %arg4[%swap3A_51, %swap3A_52] : memref<1x1xf32, #tpu.memory_space<smem>>
    } else {
    }
    %get3A_40 = arith.constant 0 : index
    %get3A_41 = arith.constant 0 : index
    %get3A_42 = memref.load %arg4[%get3A_40, %get3A_41] : memref<1x1xf32, #tpu.memory_space<smem>>
    %add3A = arith.addf %get3A_42, %reduce_sum3A_36 : f32
    %swap3A = arith.constant 0 : index
    %swap3A_43 = arith.constant 0 : index
    %swap3A_44 = memref.load %arg4[%swap3A, %swap3A_43] : memref<1x1xf32, #tpu.memory_space<smem>>
    memref.store %add3A, %arg4[%swap3A, %swap3A_43] : memref<1x1xf32, #tpu.memory_space<smem>>
    %eq3A_45 = arith.constant 15 : i32
    %eq3A_46 = arith.cmpi eq, %arg0, %eq3A_45 : i32
    %convert_element_type3A_47 = arith.extui %eq3A_46 : i1 to i32
    %cond3A_48 = arith.constant 0 : i32
    %cond3A_49 = arith.cmpi ne, %convert_element_type3A_47, %cond3A_48 : i32
    scf.if %cond3A_49 {
      %get3A_50 = arith.constant 0 : index
      %get3A_51 = arith.constant 0 : index
      %get3A_52 = memref.load %arg4[%get3A_50, %get3A_51] : memref<1x1xf32, #tpu.memory_space<smem>>
      %mul3A_53 = arith.constant 6.10351563E-5 : f32
      %mul3A_54 = arith.mulf %get3A_52, %mul3A_53 : f32
      %swap3A_55 = arith.constant 0 : index
      %swap3A_56 = arith.constant 0 : index
      %swap3A_57 = memref.load %arg4[%swap3A_55, %swap3A_56] : memref<1x1xf32, #tpu.memory_space<smem>>
      memref.store %mul3A_54, %arg4[%swap3A_55, %swap3A_56] : memref<1x1xf32, #tpu.memory_space<smem>>
    } else {
    }
    return
  }
  func.func @transform_0(%arg0: i32) -> (i32, i32) {
    %c0_i32 = arith.constant 0 : i32
    %c0_i32_0 = arith.constant 0 : i32
    return %c0_i32, %arg0 : i32, i32
  }
  func.func @transform_1(%arg0: i32) -> (i32, i32, i32) {
    %c0_i32 = arith.constant 0 : i32
    %c0_i32_0 = arith.constant 0 : i32
    %c0_i32_1 = arith.constant 0 : i32
    return %arg0, %c0_i32, %c0_i32_0 : i32, i32, i32
  }
  func.func @transform_2(%arg0: i32) -> (i32, i32, i32) {
    %c0_i32 = arith.constant 0 : i32
    %c0_i32_0 = arith.constant 0 : i32
    %c0_i32_1 = arith.constant 0 : i32
    return %arg0, %c0_i32, %c0_i32_0 : i32, i32, i32
  }
  func.func @transform_3(%arg0: i32) -> (i32, i32) {
    %c0_i32 = arith.constant 0 : i32
    %c0_i32_0 = arith.constant 0 : i32
    %c0_i32_1 = arith.constant 0 : i32
    return %c0_i32, %c0_i32_0 : i32, i32
  }
}

</mosaic_0001>

<sc_bundles>
// kernel: kernel.4.cloned.1.call-start
scs
__scs_entry_jumppad:
0x0: {  	(pc) =	sbr.rel $0x88, $3  }
0x1: {  	(tag) =	ssettag $0x0;
	lr =	simm.s32 $0x1  }
0x2: {  	[smem:$0x3F9E] =	sst lr;
	_ =	strace $0xD0000000  }
0x3: {  	_ = 	snop  }
0x4: {  	_ = 	snop  }
0x5: {  	_ = 	snop  }
0x6: {  	_ = 	snop  }
0x7: {  	_ = 	snop  }
__scs_overlays_trampoline_lowered:
0x8: {  	[smem:$0x3FAD] =	sst s0  }
0x9: {  	[smem:$0x3FAE] =	sst s1  }
0xa: {  	[smem:$0x3FAF] =	sst s2  }
0xb: {  	[smem:$0x3FB0] =	sst s3  }
0xc: {  	[smem:$0x3FB1] =	sst s4  }
0xd: {  	[smem:$0x3FB2] =	sst s5  }
0xe: {  	[smem:$0x3FB3] =	sst s6  }
0xf: {  	[smem:$0x3FB4] =	sst s7  }
0x10: {  	[smem:$0x3FB5] =	sst s8  }
0x11: {  	[smem:$0x3FB6] =	sst s9;
	s0 =	simm.s32 @!p0 $0x0  }
0x12: {  	s1 =	sld [smem:$0x3F9C];
	s0 =	simm.s32 @p0 $0x1  }
0x13: {  	[smem:$0x3FB7] =	sst s0;
	s0 =	simm.s32 @!p1 $0x0  }
0x14: {  	s2 =	sld [smem:$0x3F9B];
	s0 =	simm.s32 @p1 $0x1  }
0x15: {  	[smem:$0x3FB8] =	sst s0;
	s0 =	simm.s32 @!p2 $0x0  }
0x16: {  	s3 =	sld [smem:$0x3FDB];
	s0 =	simm.s32 @p2 $0x1  }
0x17: {  	s4 =	simm.s32 $0x1BF5;
	[smem:$0x3FBA] =	sst s0  }
0x18: {  	s0 =	sld [smem:$0x3F9D];
	_ =	swait.ge [sflag:s4], $0x0  }
0x19: {  	s7 =	sld [smem:$0x3F9E]  }
0x1a: {  	s8 =	sadd.s32 $0xFFFFE003, lr  }
0x1b: {  	s9 =	sadd.s32 $0xFFFFFEF7, lr;
	s5 =	simm.s32 $0xFFFFFFFF;
	p2 =	slt.u32 s8, $0xFFFFF086  }
0x1c: {  	p1 =	slt.u32 s9, $0xF7A;
	s5 =	simm.s32 @!p2 $0x0  }
0x1d: {  	s5 =	simm.s32 @p1 $0x1;
	p0 =	seq.s32 s7, s2  }
0x1e: {  	s7 =	smul.u32 @!p0 $0xF7A, s2;
	p2 =	seq.s32 @!p0 s5, $0x0  }
0x1f: {  	s9 =	smul.u32 $0xF7A, s1;
	s8 =	simm.s32 @!p0 $0x1BF5;
	p2 =	por !p2, p0  }
0x20: {  	[sflag:s8] =	ssyncset.s32 @!p0 $0xFFFFF086;
	s6 =	sadd.s32 @!p0 s3, s7;
	s7 =	simm.s32 @!p0 $0x108  }
0x21: {  	s3 =	sadd.s32 s3, s9;
	s6 =	sadd.s32 @!p0 $0x88, s6;
	s7 =	simm.s32 @p2 $0x1082  }
0x22: {  	[simem:s7], [sflag:s8] =	dma.local @!p0 [hbm:s6], $0xF7A  }
0x23: {  	s9 =	sor.u32 $0xD0000000, s2;
	s6 =	simm.s32 $0x108;
	_ =	swait.ge @!p0 [sflag:s8], $0x0  }
0x24: {  	s3 =	sadd.s32 $0x88, s3;
	s6 =	simm.s32 @!p1 $0x1082;
	[sflag:s4] =	ssyncset.s32 $0xFFFFF086  }
0x25: {  	[simem:s6], [sflag:s4] =	dma.local [hbm:s3], $0xF7A  }
0x26: {  	[smem:$0x3F9E] =	sst s1;
	(tag) =	ssettag s2;
	_ =	strace s9  }
0x27: {  	s1 =	sld [smem:$0x3FAE]  }
0x28: {  	s2 =	sld [smem:$0x3FAF]  }
0x29: {  	s4 =	sld [smem:$0x3FB1]  }
0x2a: {  	p0 =	seq.s32 s5, $0x0;
	s5 =	sld [smem:$0x3FB2]  }
0x2b: {  	s6 =	sld [smem:$0x3FB3]  }
0x2c: {  	s7 =	sld [smem:$0x3FB4]  }
0x2d: {  	s3 =	simm.s32 $0x108;
	s8 =	sld [smem:$0x3FB5]  }
0x2e: {  	s3 =	simm.s32 @!p0 $0x1082;
	s9 =	sld [smem:$0x3FB6]  }
0x2f: {  	lr =	sadd.s32 s0, s3;
	s0 =	sld [smem:$0x3FAD]  }
0x30: {  	s3 =	sld [smem:$0x3FB0]  }
0x31: {  	[smem:$0x3FB9] =	sst s10  }
0x32: {  	s10 =	sld [smem:$0x3FB7];
	_ =	sdelay $0x3  }
0x33: {  	p0 =	seq.s32 s10, $0x1;
	s10 =	sld [smem:$0x3FB9];
	_ =	sdelay $0x3  }
0x34: {  	[smem:$0x3FB9] =	sst s10  }
0x35: {  	s10 =	sld [smem:$0x3FB8];
	_ =	sdelay $0x3  }
0x36: {  	p1 =	seq.s32 s10, $0x1;
	s10 =	sld [smem:$0x3FB9];
	_ =	sdelay $0x3  }
0x37: {  	[smem:$0x3FB9] =	sst s10  }
0x38: {  	s10 =	sld [smem:$0x3FBA]  }
0x39: {  	_ = 	snop;
	(pc) =	sbr.ind lr, $3  }
0x3a: {  	_ = 	snop  }
0x3b: {  	_ = 	snop  }
0x3c: {  	p2 =	seq.s32 s10, $0x1;
	s10 =	sld [smem:$0x3FB9]  }
0x3d: {  	_ =	shalt  }
0x3e: {  	_ =	shalt  }
0x3f: {  	_ =	shalt  }
0x40: {  	_ =	shalt  }
0x41: {  	_ =	shalt  }
0x42: {  	_ =	shalt  }
0x43: {  	_ =	shalt  }
0x44: {  	_ =	shalt  }
0x45: {  	_ =	shalt  }
0x46: {  	_ =	shalt  }
0x47: {  	_ =	shalt  }
0x48: {  	_ =	shalt  }
0x49: {  	_ =	shalt  }
0x4a: {  	_ =	shalt  }
0x4b: {  	_ =	shalt  }
0x4c: {  	_ =	shalt  }
0x4d: {  	_ =	shalt  }
0x4e: {  	_ =	shalt  }
0x4f: {  	_ =	shalt  }
0x50: {  	_ =	shalt  }
0x51: {  	_ =	shalt  }
0x52: {  	_ =	shalt  }
0x53: {  	_ =	shalt  }
0x54: {  	_ =	shalt  }
0x55: {  	_ =	shalt  }
0x56: {  	_ =	shalt  }
0x57: {  	_ =	shalt  }
0x58: {  	_ =	shalt  }
0x59: {  	_ =	shalt  }
0x5a: {  	_ =	shalt  }
0x5b: {  	_ =	shalt  }
0x5c: {  	_ =	shalt  }
0x5d: {  	_ =	shalt  }
0x5e: {  	_ =	shalt  }
0x5f: {  	_ =	shalt  }
0x60: {  	_ =	shalt  }
0x61: {  	_ =	shalt  }
0x62: {  	_ =	shalt  }
0x63: {  	_ =	shalt  }
0x64: {  	_ =	shalt  }
0x65: {  	_ =	shalt  }
0x66: {  	_ =	shalt  }
0x67: {  	_ =	shalt  }
0x68: {  	_ =	shalt  }
0x69: {  	_ =	shalt  }
0x6a: {  	_ =	shalt  }
0x6b: {  	_ =	shalt  }
0x6c: {  	_ =	shalt  }
0x6d: {  	_ =	shalt  }
0x6e: {  	_ =	shalt  }
0x6f: {  	_ =	shalt  }
0x70: {  	_ =	shalt  }
0x71: {  	_ =	shalt  }
0x72: {  	_ =	shalt  }
0x73: {  	_ =	shalt  }
0x74: {  	_ =	shalt  }
0x75: {  	_ =	shalt  }
0x76: {  	_ =	shalt  }
0x77: {  	_ =	shalt  }
0x78: {  	_ =	shalt  }
0x79: {  	_ =	shalt  }
0x7a: {  	_ =	shalt  }
0x7b: {  	_ =	shalt  }
0x7c: {  	_ =	shalt  }
0x7d: {  	_ =	shalt  }
0x7e: {  	_ =	shalt  }
0x7f: {  	_ =	shalt  }
0x80: {  	_ =	shalt  }
0x81: {  	_ =	shalt  }
0x82: {  	_ =	shalt  }
0x83: {  	_ =	shalt  }
0x84: {  	_ =	shalt  }
0x85: {  	_ =	shalt  }
0x86: {  	_ =	shalt  }
0x87: {  	_ =	shalt  }
.Lfunc_end0:
.L_simem_size_0:
called_computation_lowered:
.L_overlay_start_0:
0x88: {  	s2 =	sld [smem:$0x3FD9]  }
0x89: {  	s3 =	sld [smem:$0x3FFE];
	_ =	sdelay $0x1  }
0x8a: {  	s1 =	srdreg.scid  }
0x8b: {  	s0 =	sand.u32 $0x1, s1  }
0x8c: {  	s17 =	sshll.u32 s0, $0xA;
	s2 =	sadd.s32 s3, s2  }
0x8d: {  	s2 =	sadd.s32 s2, s17  }
0x8e: {  	[smem:$0x3FC5] =	sst s2  }
0x8f: {  	_ = 	snop  }
0x90: {  	s2 =	sld [smem:$0x3FC8]  }
0x91: {  	s18 =	sld [smem:$0x3FC7];
	(tm) =	ssettm $0x1  }
0x92: {  	s4 =	sld [smem:$0x3FFB];
	_ =	sdelay $0x3  }
0x93: {  	_ =	strace s4  }
0x94: {  	s4 =	sld [smem:$0x3FFC];
	_ =	sdelay $0x3  }
0x95: {  	_ =	strace s4  }
0x96: {  	s4 =	sld [smem:$0x3FFD];
	_ =	sdelay $0x3  }
0x97: {  	_ =	strace s4  }
0x98: {  	_ =	strace $0x8FFFFFFF  }
0x99: {  	s19 =	sld [smem:$0x3FDB];
	_ =	sdelay $0x1  }
0x9a: {  	s5 =	simm.s32 $_scs_section_size  }
0x9b: {  	s6 =	simm.s32 $_size__tile_overlayer_lowered;
	s7 =	simm.s32 $_tile_overlayer_lowered  }
0x9c: {  	s22 =	simm.s32 $0x1BFF;
	s21 =	sshll.u32 s7, $0x1;
	s4 =	sadd.s32 s5, s19  }
0x9d: {  	s8 =	simm.s32 $0x0;
	s20 =	sshll.u32 s6, $0x1;
	s6 =	sadd.s32 s21, s4  }
0x9e: {  	[timem:s8], [sflag:s22] =	dma.local [hbm:s6], s20  }
0x9f: {  	_ =	swait.ge [sflag:s22], s20  }
0xa0: {  	s5 =	ssub.s32 $0x0, s20;
	[sflag:s22] =	ssyncset.done $0x0  }
0xa1: {  	[sflag:s22] =	ssyncadd.s32 s5;
	_ =	sdelay $0x1  }
0xa2: {  	s23 =	simm.s32 $0x1B8B  }
0xa3: {  	_ =	swait.ge [sflag:s23], $0x1  }
0xa4: {  	[sflag:s23] =	ssyncset.done $0x0  }
0xa5: {  	s25 =	simm.s32 $0x1B8E;
	s24 =	sld [smem:$0x3FFE];
	[sflag:s23] =	ssyncadd.s32 $0xFFFFFFFF  }
0xa6: {  	s26 =	simm.s32 $execute0_lowered;
	[smem:$0x3FD2] =	sst s25  }
0xa7: {  	s6 =	sshll.u32 s26, $0x1;
	_ =	strace $0x80000046;
	[dreg:$0x1] =	wrdreg $0xFFFFFFFF  }
0xa8: {  	s28 =	simm.s32 $_size_execute0_lowered;
	s4 =	sadd.s32 s4, s6;
	[dreg:$0x0] =	wrdreg $0x0  }
0xa9: {  	s6 =	sshll.u32 s28, $0x1;
	[dreg:$0x2] =	wrdreg s4  }
0xaa: {  	[dreg:$0x3] =	wrdreg s6  }
0xab: {  	[dreg:$0x4] =	wrdreg $0xC0  }
0xac: {  	_ =	task [dreg:s8], $0x5FFFF  }
0xad: {  	[dreg:$0x1] =	wrdreg $0xFFFFFFFF  }
0xae: {  	[dreg:$0x0] =	wrdreg $0x60  }
0xaf: {  	[dreg:$0x2] =	wrdreg s18  }
0xb0: {  	[dreg:$0x3] =	wrdreg s2  }
0xb1: {  	[dreg:$0x4] =	wrdreg s24  }
0xb2: {  	[dreg:$0x5] =	wrdreg $0x9  }
0xb3: {  	_ =	task.clear_ibuf [dreg:s8], $0x6FFFF;
	_ =	strace $0x90000046  }
0xb4: {  	s29 =	simm.s32 $0x9;
	_ =	strace $0x80000048  }
0xb5: {  	_ =	swait.ge [sflag:s29], $0x1  }
0xb6: {  	[sflag:s29] =	ssyncadd.s32 $0xFFFFFFFF  }
0xb7: {  	_ =	strace $0x90000048  }
0xb8: {  	_ =	sfence  }
0xb9: {  	s30 =	sld [smem:$0x0];
	_ =	sdelay $0x2  }
0xba: {  	s31 =	sshll.u32 s1, $0xD;
	s1 =	sshrl.u32 s1, $0x2  }
0xbb: {  	s3 =	sand.u32 $0x4000, s31;
	s1 =	sadd.s32 s1, s30  }
0xbc: {  	s0 =	sor.u32 s3, s0;
	s1 =	sshll.u32 s1, $0x11  }
0xbd: {  	s0 =	sor.u32 s1, s0  }
0xbe: {  	s0 =	sadd.s32 $0x8F2B, s0  }
0xbf: {  	[sflag:s0] =	ssyncadd.remote.s32 $0x1  }
0xc0: {  	_ =	sfence.sel $0xFFFF  }
0xc1: {  	[dreg:$0x0] =	wrdreg $0xFFFFFFFF;
	(pc) =	sbr.abs _section_cstart, $3  }
0xc2: {  	[dreg:$0x1] =	wrdreg $0xFFFFFFFF  }
0xc3: {  	_ =	task.clear_ibuf [dreg:s8], $0x2FFFF;
	_ =	strace $0x9FFFFFFF  }
0xc4: {  	(tm) =	ssettm $0x7FFFFFFF  }
0xc5: {  	_ =	shalt  }
tec
execute0_lowered:
.L_overlay_start_1:
0x0: {  	(tag) =	ssettag $0x1  }
0x1: {  	s2 =	rddreg [dreg:$0x0]  }
0x2: {  	s4 =	rddreg [dreg:$0x1]  }
0x3: {  	s14 =	rddreg [dreg:$0x2];
	s3 =	srdreg.scid  }
0x4: {  	s0 =	rddreg [dreg:$0x3];
	s1 =	stileid.u32;
	s15 =	sand.u32 $0x1, s3  }
0x5: {  	s3 =	simm.s32 $0x0;
	s5 =	sshll.u32 s1, $0x7;
	s6 =	sshll.u32 s15, $0x6  }
0x6: {  	[smem:$0x7FF] =	sst s3;
	s16 =	sor.u32 s6, s5  }
0x7: {  	_ =	strace $0x80000047;
	s5 =	sadd.s32 s4, s16;
	s4 =	simm.s32 $0x2  }
0x8: {  	[tilespmem:s3], [sflag:$0x2] =	stream.linear.gather [hbm4b:s5+s3], $0x200, $0x38;
	[tilespmem:$0x400] =	vst v63  }
0x9: {  	_ =	swait.ge [sflag:s4], $0x200  }
0xa: {  	[sflag:s4] =	ssyncset.done $0x0  }
0xb: {  	s7 =	simm.s32 $0x200;
	s6 =	simm.s32 $0x80;
	[sflag:s4] =	ssyncadd.s32 $0xFFFFFE00  }
0xc: {  	[tilespmem:s7], [sflag:$0x1] =	stream.indirect.gather [hbm4b:s2+s6], $0x1, s3, s6, $0xb8;
	[tilespmem:$0x400] =	vst v63  }
0xd: {  	s8 =	simm.s32 $0x280  }
0xe: {  	[tilespmem:s8], [sflag:$0x1] =	stream.indirect.gather [hbm4b:s2+s6], $0x1, s6, s6, $0xb8;
	[tilespmem:$0x400] =	vst v63  }
0xf: {  	s9 =	simm.s32 $0x100;
	s10 =	simm.s32 $0x300  }
0x10: {  	[tilespmem:s10], [sflag:$0x1] =	stream.indirect.gather [hbm4b:s2+s6], $0x1, s9, s6, $0xb8;
	[tilespmem:$0x400] =	vst v63  }
0x11: {  	s11 =	simm.s32 $0x180;
	s12 =	simm.s32 $0x380;
	s13 =	simm.s32 $0x1  }
0x12: {  	[tilespmem:s12], [sflag:$0x1] =	stream.indirect.gather [hbm4b:s2+s6], $0x1, s11, s6, $0xb8;
	[tilespmem:$0x400] =	vst v63  }
0x13: {  	_ =	swait.ge [sflag:s13], $0x80  }
0x14: {  	[sflag:s13] =	ssyncset.done $0x0  }
0x15: {  	[sflag:s13] =	ssyncadd.s32 $0xFFFFFF80  }
0x16: {  	_ =	swait.ge [sflag:s13], $0x80  }
0x17: {  	[sflag:s13] =	ssyncset.done $0x0  }
0x18: {  	s15 =	ssub.s32 $0x2, s15;
	[sflag:s13] =	ssyncadd.s32 $0xFFFFFF80  }
0x19: {  	s17 =	sshrl.u32 s15, $0x1;
	_ =	swait.ge [sflag:s13], $0x80  }
0x1a: {  	s15 =	ssub.s32 s15, s17;
	[sflag:s13] =	ssyncset.done $0x0  }
0x1b: {  	s15 =	smax.u32 s15, $0x1;
	[sflag:s13] =	ssyncadd.s32 $0xFFFFFF80  }
0x1c: {  	p0 =	sne.s32 s15, $0x1;
	_ =	swait.ge [sflag:s13], $0x80  }
.Ltmp0:
0x1d: {  	s14 =	sadd.s32 s16, s14;
	[sflag:s13] =	ssyncset.done $0x0;
	(pc) =	sbr.rel @!p0 .LBB2_2-.Ltmp0, $4  }
0x1e: {  	s14 =	sadd.s32 $0x800, s14;
	[sflag:s13] =	ssyncadd.s32 $0xFFFFFF80  }
0x1f: {  	[hbm4b:s14+s3] =	stream.linear.scatter [tilespmem:s7], [sflag:$0x2], $0x200, $0x38;
	[tilespmem:$0x400] =	vst v63  }
0x20: {  	_ =	swait.ge [sflag:s4], $0x200  }
0x21: {  	s15 =	sadd.s32 $0xFFFFFFFF, s15;
	[sflag:s4] =	ssyncset.done $0x0  }
.LBB2_1:
0x22: {  	p0 =	sne.s32 s15, $0x1;
	s15 =	sadd.s32 $0xFFFFFFFF, s15;
	[sflag:s4] =	ssyncadd.s32 $0xFFFFFE00  }
0x23: {  	[tilespmem:s3], [sflag:$0x2] =	stream.linear.gather [hbm4b:s5+s3], $0x200, $0x38;
	[tilespmem:$0x400] =	vst v63  }
0x24: {  	_ =	swait.ge [sflag:s4], $0x200  }
0x25: {  	[sflag:s4] =	ssyncset.done $0x0  }
0x26: {  	[sflag:s4] =	ssyncadd.s32 $0xFFFFFE00  }
0x27: {  	[tilespmem:s7], [sflag:$0x1] =	stream.indirect.gather [hbm4b:s2+s6], $0x1, s3, s6, $0xb8;
	[tilespmem:$0x400] =	vst v63  }
0x28: {  	_ = 	snop  }
0x29: {  	[tilespmem:s8], [sflag:$0x1] =	stream.indirect.gather [hbm4b:s2+s6], $0x1, s6, s6, $0xb8;
	[tilespmem:$0x400] =	vst v63  }
0x2a: {  	_ = 	snop  }
0x2b: {  	[tilespmem:s10], [sflag:$0x1] =	stream.indirect.gather [hbm4b:s2+s6], $0x1, s9, s6, $0xb8;
	[tilespmem:$0x400] =	vst v63  }
0x2c: {  	_ = 	snop  }
0x2d: {  	[tilespmem:s12], [sflag:$0x1] =	stream.indirect.gather [hbm4b:s2+s6], $0x1, s11, s6, $0xb8;
	[tilespmem:$0x400] =	vst v63  }
0x2e: {  	_ =	swait.ge [sflag:s13], $0x80  }
0x2f: {  	[sflag:s13] =	ssyncset.done $0x0  }
0x30: {  	[sflag:s13] =	ssyncadd.s32 $0xFFFFFF80  }
0x31: {  	_ =	swait.ge [sflag:s13], $0x80  }
0x32: {  	[sflag:s13] =	ssyncset.done $0x0  }
0x33: {  	[sflag:s13] =	ssyncadd.s32 $0xFFFFFF80  }
0x34: {  	_ =	swait.ge [sflag:s13], $0x80  }
0x35: {  	[sflag:s13] =	ssyncset.done $0x0  }
0x36: {  	[sflag:s13] =	ssyncadd.s32 $0xFFFFFF80  }
0x37: {  	_ =	swait.ge [sflag:s13], $0x80  }
.Ltmp1:
0x38: {  	[sflag:s13] =	ssyncset.done $0x0;
	(pc) =	sbr.rel @p0 .LBB2_1-.Ltmp1, $4  }
0x39: {  	[sflag:s13] =	ssyncadd.s32 $0xFFFFFF80  }
0x3a: {  	[hbm4b:s14+s3] =	stream.linear.scatter [tilespmem:s7], [sflag:$0x2], $0x200, $0x38;
	[tilespmem:$0x400] =	vst v63  }
0x3b: {  	_ =	swait.ge [sflag:s4], $0x200  }
0x3c: {  	[sflag:s4] =	ssyncset.done $0x0  }
.LBB2_2:
0x3d: {  	[sflag:s4] =	ssyncadd.s32 $0xFFFFFE00  }
0x3e: {  	_ =	sfence.sel $0x180000  }
0x3f: {  	[bflag:$0x0] =	sbarrier.arrive $0xFFFF  }
0x40: {  	p0 =	sne.s32 s1, $0x0;
	_ =	strace $0x90000047  }
0x41: {  	s0 =	sadd.s32 @!p0 $0x100000, s0;
	[bflag:$0x2] =	sbarrier.arrive $0xFFFF  }
0x42: {  	[sflag:s0] =	ssyncadd.tile.s32 @!p0 $0x1;
	_ =	shalt  }
.Lfunc_end2:
_tile_overlayer_lowered:
.L_overlay_start_2:
0x43: {  	(tag) =	ssettag $0x2  }
0x44: {  	s0 =	rddreg [dreg:$0x0];
	s2 =	stileid.u32  }
0x45: {  	s1 =	rddreg [dreg:$0x1];
	p0 =	sne.s32 s2, $0x0  }
0x46: {  	s3 =	rddreg [dreg:$0x2];
	[bflag:$0x3] =	sbarrier.arrive $0xFFFF;
	s2 =	simm.s32 @!p0 $0x1C02  }
0x47: {  	[timem:s3], [sflag:s2] =	dma.local @!p0 [hbm:s0], s1  }
0x48: {  	s0 =	simm.s32 @!p0 $0x2  }
0x49: {  	_ =	swait.ge @!p0 [sflag:s0], s1  }
0x4a: {  	s1 =	ssub.s32 @!p0 $0x0, s1;
	[sflag:s0] =	ssyncset.done @!p0 $0x0  }
0x4b: {  	[sflag:s0] =	ssyncadd.s32 @!p0 s1  }
0x4c: {  	[bflag:$0x3] =	sbarrier.arrive $0xFFFF  }
0x4d: {  	_ =	shalt  }

</sc_bundles>
